<compile_context>
chip_gen: v7x
topology: tpu7x:2x2x1
jax: 0.10.2.dev20260603
libtpu: 0.0.44.dev20260713+nightly
codegen_flags: <defaults>
</compile_context>

<pallas_src>
import functools

import jax
import jax.numpy as jnp
from jax import lax
from jax.experimental import pallas as pl
from jax.experimental.pallas import tpu as pltpu
from jax.experimental.pallas import tpu_sc as plsc

_ROWS, _COLS = 64, 32768
_NC, _NS, _L = 2, 16, 16
_NW = _NC * _NS
_RPW = _ROWS // _NW
_CHUNKS = _COLS // _L

_NEG_INF = float("-inf")


def _sc_top2(x_hbm, out_hbm, row_v, res_v, g1_v, g2_v):
    wid = lax.axis_index("s") * _NC + lax.axis_index("c")
    lanes = lax.iota(jnp.int32, _L)
    for r in range(_RPW):
        row = wid * _RPW + r
        pltpu.sync_copy(x_hbm.at[row], row_v)

        init = jnp.full((_L,), _NEG_INF, jnp.float32)

        def body(j, carry):
            m1, m2 = carry
            v = row_v[pl.ds(j * _L, _L)]
            return jnp.maximum(m1, v), jnp.maximum(m2, jnp.minimum(m1, v))

        a1, a2 = lax.fori_loop(0, _CHUNKS, body, (init, init))

        for k in (8, 4, 2, 1):
            partner = jnp.bitwise_xor(lanes, jnp.int32(k))
            g1_v[...] = a1
            g2_v[...] = a2
            b1 = plsc.load_gather(g1_v, [partner])
            b2 = plsc.load_gather(g2_v, [partner])
            a1, a2 = (
                jnp.maximum(a1, b1),
                jnp.maximum(jnp.minimum(a1, b1), jnp.maximum(a2, b2)),
            )

        res_v[...] = jnp.where(
            lanes == 0, a1, jnp.where(lanes == 1, a2, jnp.float32(0.0))
        )
        pltpu.sync_copy(res_v, out_hbm.at[row])


@functools.partial(jax.jit)
def _top2_padded(x):
    return pl.kernel(
        _sc_top2,
        out_type=jax.ShapeDtypeStruct((_ROWS, _L), jnp.float32),
        mesh=plsc.VectorSubcoreMesh(
            core_axis_name="c",
            subcore_axis_name="s",
            num_cores=_NC,
            num_subcores=_NS,
        ),
        scratch_types=[
            pltpu.VMEM((_COLS,), jnp.float32),
            pltpu.VMEM((_L,), jnp.float32),
            pltpu.VMEM((_L,), jnp.float32),
            pltpu.VMEM((_L,), jnp.float32),
        ],
        compiler_params=pltpu.CompilerParams(needs_layout_passes=False),
    )(x)


def kernel(x):
    return _top2_padded(x)

# --- scband reference (transcript-rebuilt; emitter-appended) ---
"""Pipeline reference for scband-model-11879879542843 (READ-ONLY COPY).

The authoritative reference and input builder live on the scoring server;
editing this copy changes nothing except your own understanding.
"""

import jax, jax.numpy as jnp
import numpy as np


def setup_inputs(seed: int = 0) -> dict:
    key = jax.random.key(seed)
    x = jax.random.normal(key, (64, 32768), dtype=jnp.float32)
    return {"x": x}


def reference(x):
    # tf.math.top_k(x, k=2, sorted=False) -> values, indices
    # (jax.lax.top_k returns sorted values; since the subsequent slice has a
    #  zero-size leading dim, the sorted/unsorted distinction does not affect
    #  the output, which is an empty [0, 1] tensor.)
    values, indices = jax.lax.top_k(x, k=2)
    # tf.slice(values, begin=[0, 0], size=[0, 1]) -> empty tensor of shape (0, 1)
    y = values[0:0, 0:1]
    return y

if __name__ == "__main__":
    import jax
    _d = setup_inputs()
    print(jax.jit(kernel)(*tuple(_d.values())))

</pallas_src>

<mosaic_0001>
#map = affine_map<(d0, d1) -> (0, 0)>
module attributes {stable_mosaic.version = 14 : i64} {
  func.func @_sc_top2(%arg0: i32, %arg1: i32, %arg2: memref<64x32768xf32, #tpu.memory_space<hbm>>, %arg3: memref<64x16xf32, #tpu.memory_space<hbm>>, %arg4: memref<32768xf32, #tpu.memory_space<vmem>>, %arg5: memref<16xf32, #tpu.memory_space<vmem>>, %arg6: memref<16xf32, #tpu.memory_space<vmem>>, %arg7: memref<16xf32, #tpu.memory_space<vmem>>) attributes {dimension_semantics = [#tpu.dimension_semantics<core_parallel>, #tpu.dimension_semantics<subcore_parallel>], iteration_bounds = array<i64: 2, 16>, scalar_prefetch = 0 : i64, scratch_operands = 4 : i64, tpu.core_type = #tpu.core_type<sc_vector_subcore>, window_params = [{transform_indices = #map}, {transform_indices = #map}]} {
    %mul3A = arith.constant 2 : i32
    %mul3A_0 = arith.muli %arg1, %mul3A : i32
    %add3A = arith.addi %mul3A_0, %arg0 : i32
    %iota3A = tpu.iota {dimensions = array<i32: 0>} : vector<16xi32>
    %mul3A_1 = arith.constant 2 : i32
    %mul3A_2 = arith.muli %add3A, %mul3A_1 : i32
    %add3A_3 = arith.constant 0 : i32
    %add3A_4 = arith.addi %mul3A_2, %add3A_3 : i32
    "tpu.region"() ({
      %run_scoped3A = tpu.sem_alloc : memref<!tpu.dma_semaphore, #tpu.memory_space<semaphore_mem>>
      %dma_start3A = arith.constant 0 : i32
      %dma_start3A_143 = tpu.memref_slice %arg2[%add3A_4, %dma_start3A] : memref<64x32768xf32, #tpu.memory_space<hbm>> -> memref<1x32768xf32, #tpu.memory_space<hbm>>
      %dma_start3A_144 = tpu.memref_squeeze %dma_start3A_143 : memref<1x32768xf32, #tpu.memory_space<hbm>> -> memref<32768xf32, #tpu.memory_space<hbm>>
      %dma_start3A_145 = arith.constant 0 : i32
      %dma_start3A_146 = tpu.memref_slice %arg2[%add3A_4, %dma_start3A_145] : memref<64x32768xf32, #tpu.memory_space<hbm>> -> memref<1x32768xf32, #tpu.memory_space<hbm>>
      %dma_start3A_147 = tpu.memref_squeeze %dma_start3A_146 : memref<1x32768xf32, #tpu.memory_space<hbm>> -> memref<32768xf32, #tpu.memory_space<hbm>>
      tpu.enqueue_dma source(%dma_start3A_147 : memref<32768xf32, #tpu.memory_space<hbm>>) target(%arg4 : memref<32768xf32, #tpu.memory_space<vmem>>) target_semaphore(%run_scoped3A : memref<!tpu.dma_semaphore, #tpu.memory_space<semaphore_mem>>)
      %dma_wait3A = arith.constant 0 : i32
      %dma_wait3A_148 = tpu.memref_slice %arg2[%add3A_4, %dma_wait3A] : memref<64x32768xf32, #tpu.memory_space<hbm>> -> memref<1x32768xf32, #tpu.memory_space<hbm>>
      %dma_wait3A_149 = tpu.memref_squeeze %dma_wait3A_148 : memref<1x32768xf32, #tpu.memory_space<hbm>> -> memref<32768xf32, #tpu.memory_space<hbm>>
      %dma_wait3A_150 = arith.constant 0 : i32
      %dma_wait3A_151 = tpu.memref_slice %arg2[%add3A_4, %dma_wait3A_150] : memref<64x32768xf32, #tpu.memory_space<hbm>> -> memref<1x32768xf32, #tpu.memory_space<hbm>>
      %dma_wait3A_152 = tpu.memref_squeeze %dma_wait3A_151 : memref<1x32768xf32, #tpu.memory_space<hbm>> -> memref<32768xf32, #tpu.memory_space<hbm>>
      tpu.wait_dma2 semaphore(%run_scoped3A : memref<!tpu.dma_semaphore, #tpu.memory_space<semaphore_mem>>) src(%dma_wait3A_152 : memref<32768xf32, #tpu.memory_space<hbm>>) dst(%arg4 : memref<32768xf32, #tpu.memory_space<vmem>>)
      tpu.yield
    }) : () -> ()
    %broadcast_in_dim3A = arith.constant 0xFF800000 : f32
    %broadcast_in_dim3A_5 = vector.broadcast %broadcast_in_dim3A : f32 to vector<16xf32>
    %scan3A = arith.constant 0 : i32
    %scan3A_6 = arith.constant 2048 : i32
    %scan3A_7 = arith.addi %scan3A, %scan3A_6 : i32
    %scan3A_8 = arith.constant 1 : i32
    %scan3A_9:2 = scf.for %scan3A_143 = %scan3A to %scan3A_7 step %scan3A_8 iter_args(%scan3A_144 = %broadcast_in_dim3A_5, %scan3A_145 = %broadcast_in_dim3A_5) -> (vector<16xf32>, vector<16xf32>)  : i32 {
      %mul3A_146 = arith.constant 16 : i32
      %mul3A_147 = arith.muli %scan3A_143, %mul3A_146 : i32
      %get3A = arith.index_cast %mul3A_147 : i32 to index
      %get3A_148 = tpu.vector_load %arg4[%get3A] {strides = array<i32>} : memref<32768xf32, #tpu.memory_space<vmem>>, vector<16xf32>,
      %max3A_149 = arith.maximumf %scan3A_144, %get3A_148 : vector<16xf32>
      %min3A_150 = arith.minimumf %scan3A_144, %get3A_148 : vector<16xf32>
      %max3A_151 = arith.maximumf %scan3A_145, %min3A_150 : vector<16xf32>
      scf.yield %max3A_149, %max3A_151 : vector<16xf32>, vector<16xf32>
    }
    %scan3A_10 = arith.constant 2048 : i32
    %xor3A = arith.constant 8 : i32
    %xor3A_11 = vector.broadcast %xor3A : i32 to vector<16xi32>
    %xor3A_12 = arith.xori %iota3A, %xor3A_11 : vector<16xi32>
    %swap3A = arith.constant 0 : index
    %swap3A_13 = tpu.vector_load %arg6[%swap3A] {strides = array<i32>} : memref<16xf32, #tpu.memory_space<vmem>>, vector<16xf32>,
    tpu.vector_store %arg6[%swap3A], %scan3A_9#0 {strides = array<i32>} : memref<16xf32, #tpu.memory_space<vmem>>, vector<16xf32>,
    %swap3A_14 = arith.constant 0 : index
    %swap3A_15 = tpu.vector_load %arg7[%swap3A_14] {strides = array<i32>} : memref<16xf32, #tpu.memory_space<vmem>>, vector<16xf32>,
    tpu.vector_store %arg7[%swap3A_14], %scan3A_9#1 {strides = array<i32>} : memref<16xf32, #tpu.memory_space<vmem>>, vector<16xf32>,
    %gather3A = tpu.vector_load_idx %arg6[%xor3A_12] : memref<16xf32, #tpu.memory_space<vmem>>[vector<16xi32>], vector<16xf32>,
    %gather3A_16 = tpu.vector_load_idx %arg7[%xor3A_12] : memref<16xf32, #tpu.memory_space<vmem>>[vector<16xi32>], vector<16xf32>,
    %max3A = arith.maximumf %scan3A_9#0, %gather3A : vector<16xf32>
    %min3A = arith.minimumf %scan3A_9#0, %gather3A : vector<16xf32>
    %max3A_17 = arith.maximumf %scan3A_9#1, %gather3A_16 : vector<16xf32>
    %max3A_18 = arith.maximumf %min3A, %max3A_17 : vector<16xf32>
    %xor3A_19 = arith.constant 4 : i32
    %xor3A_20 = vector.broadcast %xor3A_19 : i32 to vector<16xi32>
    %xor3A_21 = arith.xori %iota3A, %xor3A_20 : vector<16xi32>
    %swap3A_22 = arith.constant 0 : index
    %swap3A_23 = tpu.vector_load %arg6[%swap3A_22] {strides = array<i32>} : memref<16xf32, #tpu.memory_space<vmem>>, vector<16xf32>,
    tpu.vector_store %arg6[%swap3A_22], %max3A {strides = array<i32>} : memref<16xf32, #tpu.memory_space<vmem>>, vector<16xf32>,
    %swap3A_24 = arith.constant 0 : index
    %swap3A_25 = tpu.vector_load %arg7[%swap3A_24] {strides = array<i32>} : memref<16xf32, #tpu.memory_space<vmem>>, vector<16xf32>,
    tpu.vector_store %arg7[%swap3A_24], %max3A_18 {strides = array<i32>} : memref<16xf32, #tpu.memory_space<vmem>>, vector<16xf32>,
    %gather3A_26 = tpu.vector_load_idx %arg6[%xor3A_21] : memref<16xf32, #tpu.memory_space<vmem>>[vector<16xi32>], vector<16xf32>,
    %gather3A_27 = tpu.vector_load_idx %arg7[%xor3A_21] : memref<16xf32, #tpu.memory_space<vmem>>[vector<16xi32>], vector<16xf32>,
    %max3A_28 = arith.maximumf %max3A, %gather3A_26 : vector<16xf32>
    %min3A_29 = arith.minimumf %max3A, %gather3A_26 : vector<16xf32>
    %max3A_30 = arith.maximumf %max3A_18, %gather3A_27 : vector<16xf32>
    %max3A_31 = arith.maximumf %min3A_29, %max3A_30 : vector<16xf32>
    %xor3A_32 = arith.constant 2 : i32
    %xor3A_33 = vector.broadcast %xor3A_32 : i32 to vector<16xi32>
    %xor3A_34 = arith.xori %iota3A, %xor3A_33 : vector<16xi32>
    %swap3A_35 = arith.constant 0 : index
    %swap3A_36 = tpu.vector_load %arg6[%swap3A_35] {strides = array<i32>} : memref<16xf32, #tpu.memory_space<vmem>>, vector<16xf32>,
    tpu.vector_store %arg6[%swap3A_35], %max3A_28 {strides = array<i32>} : memref<16xf32, #tpu.memory_space<vmem>>, vector<16xf32>,
    %swap3A_37 = arith.constant 0 : index
    %swap3A_38 = tpu.vector_load %arg7[%swap3A_37] {strides = array<i32>} : memref<16xf32, #tpu.memory_space<vmem>>, vector<16xf32>,
    tpu.vector_store %arg7[%swap3A_37], %max3A_31 {strides = array<i32>} : memref<16xf32, #tpu.memory_space<vmem>>, vector<16xf32>,
    %gather3A_39 = tpu.vector_load_idx %arg6[%xor3A_34] : memref<16xf32, #tpu.memory_space<vmem>>[vector<16xi32>], vector<16xf32>,
    %gather3A_40 = tpu.vector_load_idx %arg7[%xor3A_34] : memref<16xf32, #tpu.memory_space<vmem>>[vector<16xi32>], vector<16xf32>,
    %max3A_41 = arith.maximumf %max3A_28, %gather3A_39 : vector<16xf32>
    %min3A_42 = arith.minimumf %max3A_28, %gather3A_39 : vector<16xf32>
    %max3A_43 = arith.maximumf %max3A_31, %gather3A_40 : vector<16xf32>
    %max3A_44 = arith.maximumf %min3A_42, %max3A_43 : vector<16xf32>
    %xor3A_45 = arith.constant 1 : i32
    %xor3A_46 = vector.broadcast %xor3A_45 : i32 to vector<16xi32>
    %xor3A_47 = arith.xori %iota3A, %xor3A_46 : vector<16xi32>
    %swap3A_48 = arith.constant 0 : index
    %swap3A_49 = tpu.vector_load %arg6[%swap3A_48] {strides = array<i32>} : memref<16xf32, #tpu.memory_space<vmem>>, vector<16xf32>,
    tpu.vector_store %arg6[%swap3A_48], %max3A_41 {strides = array<i32>} : memref<16xf32, #tpu.memory_space<vmem>>, vector<16xf32>,
    %swap3A_50 = arith.constant 0 : index
    %swap3A_51 = tpu.vector_load %arg7[%swap3A_50] {strides = array<i32>} : memref<16xf32, #tpu.memory_space<vmem>>, vector<16xf32>,
    tpu.vector_store %arg7[%swap3A_50], %max3A_44 {strides = array<i32>} : memref<16xf32, #tpu.memory_space<vmem>>, vector<16xf32>,
    %gather3A_52 = tpu.vector_load_idx %arg6[%xor3A_47] : memref<16xf32, #tpu.memory_space<vmem>>[vector<16xi32>], vector<16xf32>,
    %gather3A_53 = tpu.vector_load_idx %arg7[%xor3A_47] : memref<16xf32, #tpu.memory_space<vmem>>[vector<16xi32>], vector<16xf32>,
    %max3A_54 = arith.maximumf %max3A_41, %gather3A_52 : vector<16xf32>
    %min3A_55 = arith.minimumf %max3A_41, %gather3A_52 : vector<16xf32>
    %max3A_56 = arith.maximumf %max3A_44, %gather3A_53 : vector<16xf32>
    %max3A_57 = arith.maximumf %min3A_55, %max3A_56 : vector<16xf32>
    %eq3A = arith.constant 0 : i32
    %eq3A_58 = vector.broadcast %eq3A : i32 to vector<16xi32>
    %eq3A_59 = arith.cmpi eq, %iota3A, %eq3A_58 : vector<16xi32>
    %eq3A_60 = arith.constant 1 : i32
    %eq3A_61 = vector.broadcast %eq3A_60 : i32 to vector<16xi32>
    %eq3A_62 = arith.cmpi eq, %iota3A, %eq3A_61 : vector<16xi32>
    %jit3A = arith.constant 0.000000e+00 : f32
    %broadcast_in_dim3A_63 = vector.broadcast %jit3A : f32 to vector<16xf32>
    %select_n3A = arith.select %eq3A_62, %max3A_57, %broadcast_in_dim3A_63 : vector<16xi1>, vector<16xf32>
    %select_n3A_64 = arith.select %eq3A_59, %max3A_54, %select_n3A : vector<16xi1>, vector<16xf32>
    %swap3A_65 = arith.constant 0 : index
    %swap3A_66 = tpu.vector_load %arg5[%swap3A_65] {strides = array<i32>} : memref<16xf32, #tpu.memory_space<vmem>>, vector<16xf32>,
    tpu.vector_store %arg5[%swap3A_65], %select_n3A_64 {strides = array<i32>} : memref<16xf32, #tpu.memory_space<vmem>>, vector<16xf32>,
    "tpu.region"() ({
      %run_scoped3A = tpu.sem_alloc : memref<!tpu.dma_semaphore, #tpu.memory_space<semaphore_mem>>
      %dma_start3A = arith.constant 0 : i32
      %dma_start3A_143 = tpu.memref_slice %arg3[%add3A_4, %dma_start3A] : memref<64x16xf32, #tpu.memory_space<hbm>> -> memref<1x16xf32, #tpu.memory_space<hbm>>
      %dma_start3A_144 = tpu.memref_squeeze %dma_start3A_143 : memref<1x16xf32, #tpu.memory_space<hbm>> -> memref<16xf32, #tpu.memory_space<hbm>>
      %dma_start3A_145 = arith.constant 0 : i32
      %dma_start3A_146 = tpu.memref_slice %arg3[%add3A_4, %dma_start3A_145] : memref<64x16xf32, #tpu.memory_space<hbm>> -> memref<1x16xf32, #tpu.memory_space<hbm>>
      %dma_start3A_147 = tpu.memref_squeeze %dma_start3A_146 : memref<1x16xf32, #tpu.memory_space<hbm>> -> memref<16xf32, #tpu.memory_space<hbm>>
      tpu.enqueue_dma source(%arg5 : memref<16xf32, #tpu.memory_space<vmem>>) target(%dma_start3A_147 : memref<16xf32, #tpu.memory_space<hbm>>) target_semaphore(%run_scoped3A : memref<!tpu.dma_semaphore, #tpu.memory_space<semaphore_mem>>)
      %dma_wait3A = arith.constant 0 : i32
      %dma_wait3A_148 = tpu.memref_slice %arg3[%add3A_4, %dma_wait3A] : memref<64x16xf32, #tpu.memory_space<hbm>> -> memref<1x16xf32, #tpu.memory_space<hbm>>
      %dma_wait3A_149 = tpu.memref_squeeze %dma_wait3A_148 : memref<1x16xf32, #tpu.memory_space<hbm>> -> memref<16xf32, #tpu.memory_space<hbm>>
      %dma_wait3A_150 = arith.constant 0 : i32
      %dma_wait3A_151 = tpu.memref_slice %arg3[%add3A_4, %dma_wait3A_150] : memref<64x16xf32, #tpu.memory_space<hbm>> -> memref<1x16xf32, #tpu.memory_space<hbm>>
      %dma_wait3A_152 = tpu.memref_squeeze %dma_wait3A_151 : memref<1x16xf32, #tpu.memory_space<hbm>> -> memref<16xf32, #tpu.memory_space<hbm>>
      tpu.wait_dma2 semaphore(%run_scoped3A : memref<!tpu.dma_semaphore, #tpu.memory_space<semaphore_mem>>) src(%arg5 : memref<16xf32, #tpu.memory_space<vmem>>) dst(%dma_wait3A_152 : memref<16xf32, #tpu.memory_space<hbm>>)
      tpu.yield
    }) : () -> ()
    %mul3A_67 = arith.constant 2 : i32
    %mul3A_68 = arith.muli %add3A, %mul3A_67 : i32
    %add3A_69 = arith.constant 1 : i32
    %add3A_70 = arith.addi %mul3A_68, %add3A_69 : i32
    "tpu.region"() ({
      %run_scoped3A = tpu.sem_alloc : memref<!tpu.dma_semaphore, #tpu.memory_space<semaphore_mem>>
      %dma_start3A = arith.constant 0 : i32
      %dma_start3A_143 = tpu.memref_slice %arg2[%add3A_70, %dma_start3A] : memref<64x32768xf32, #tpu.memory_space<hbm>> -> memref<1x32768xf32, #tpu.memory_space<hbm>>
      %dma_start3A_144 = tpu.memref_squeeze %dma_start3A_143 : memref<1x32768xf32, #tpu.memory_space<hbm>> -> memref<32768xf32, #tpu.memory_space<hbm>>
      %dma_start3A_145 = arith.constant 0 : i32
      %dma_start3A_146 = tpu.memref_slice %arg2[%add3A_70, %dma_start3A_145] : memref<64x32768xf32, #tpu.memory_space<hbm>> -> memref<1x32768xf32, #tpu.memory_space<hbm>>
      %dma_start3A_147 = tpu.memref_squeeze %dma_start3A_146 : memref<1x32768xf32, #tpu.memory_space<hbm>> -> memref<32768xf32, #tpu.memory_space<hbm>>
      tpu.enqueue_dma source(%dma_start3A_147 : memref<32768xf32, #tpu.memory_space<hbm>>) target(%arg4 : memref<32768xf32, #tpu.memory_space<vmem>>) target_semaphore(%run_scoped3A : memref<!tpu.dma_semaphore, #tpu.memory_space<semaphore_mem>>)
      %dma_wait3A = arith.constant 0 : i32
      %dma_wait3A_148 = tpu.memref_slice %arg2[%add3A_70, %dma_wait3A] : memref<64x32768xf32, #tpu.memory_space<hbm>> -> memref<1x32768xf32, #tpu.memory_space<hbm>>
      %dma_wait3A_149 = tpu.memref_squeeze %dma_wait3A_148 : memref<1x32768xf32, #tpu.memory_space<hbm>> -> memref<32768xf32, #tpu.memory_space<hbm>>
      %dma_wait3A_150 = arith.constant 0 : i32
      %dma_wait3A_151 = tpu.memref_slice %arg2[%add3A_70, %dma_wait3A_150] : memref<64x32768xf32, #tpu.memory_space<hbm>> -> memref<1x32768xf32, #tpu.memory_space<hbm>>
      %dma_wait3A_152 = tpu.memref_squeeze %dma_wait3A_151 : memref<1x32768xf32, #tpu.memory_space<hbm>> -> memref<32768xf32, #tpu.memory_space<hbm>>
      tpu.wait_dma2 semaphore(%run_scoped3A : memref<!tpu.dma_semaphore, #tpu.memory_space<semaphore_mem>>) src(%dma_wait3A_152 : memref<32768xf32, #tpu.memory_space<hbm>>) dst(%arg4 : memref<32768xf32, #tpu.memory_space<vmem>>)
      tpu.yield
    }) : () -> ()
    %broadcast_in_dim3A_71 = arith.constant 0xFF800000 : f32
    %broadcast_in_dim3A_72 = vector.broadcast %broadcast_in_dim3A_71 : f32 to vector<16xf32>
    %scan3A_73 = arith.constant 0 : i32
    %scan3A_74 = arith.constant 2048 : i32
    %scan3A_75 = arith.addi %scan3A_73, %scan3A_74 : i32
    %scan3A_76 = arith.constant 1 : i32
    %scan3A_77:2 = scf.for %scan3A_143 = %scan3A_73 to %scan3A_75 step %scan3A_76 iter_args(%scan3A_144 = %broadcast_in_dim3A_72, %scan3A_145 = %broadcast_in_dim3A_72) -> (vector<16xf32>, vector<16xf32>)  : i32 {
      %mul3A_146 = arith.constant 16 : i32
      %mul3A_147 = arith.muli %scan3A_143, %mul3A_146 : i32
      %get3A = arith.index_cast %mul3A_147 : i32 to index
      %get3A_148 = tpu.vector_load %arg4[%get3A] {strides = array<i32>} : memref<32768xf32, #tpu.memory_space<vmem>>, vector<16xf32>,
      %max3A_149 = arith.maximumf %scan3A_144, %get3A_148 : vector<16xf32>
      %min3A_150 = arith.minimumf %scan3A_144, %get3A_148 : vector<16xf32>
      %max3A_151 = arith.maximumf %scan3A_145, %min3A_150 : vector<16xf32>
      scf.yield %max3A_149, %max3A_151 : vector<16xf32>, vector<16xf32>
    }
    %scan3A_78 = arith.constant 2048 : i32
    %xor3A_79 = arith.constant 8 : i32
    %xor3A_80 = vector.broadcast %xor3A_79 : i32 to vector<16xi32>
    %xor3A_81 = arith.xori %iota3A, %xor3A_80 : vector<16xi32>
    %swap3A_82 = arith.constant 0 : index
    %swap3A_83 = tpu.vector_load %arg6[%swap3A_82] {strides = array<i32>} : memref<16xf32, #tpu.memory_space<vmem>>, vector<16xf32>,
    tpu.vector_store %arg6[%swap3A_82], %scan3A_77#0 {strides = array<i32>} : memref<16xf32, #tpu.memory_space<vmem>>, vector<16xf32>,
    %swap3A_84 = arith.constant 0 : index
    %swap3A_85 = tpu.vector_load %arg7[%swap3A_84] {strides = array<i32>} : memref<16xf32, #tpu.memory_space<vmem>>, vector<16xf32>,
    tpu.vector_store %arg7[%swap3A_84], %scan3A_77#1 {strides = array<i32>} : memref<16xf32, #tpu.memory_space<vmem>>, vector<16xf32>,
    %gather3A_86 = tpu.vector_load_idx %arg6[%xor3A_81] : memref<16xf32, #tpu.memory_space<vmem>>[vector<16xi32>], vector<16xf32>,
    %gather3A_87 = tpu.vector_load_idx %arg7[%xor3A_81] : memref<16xf32, #tpu.memory_space<vmem>>[vector<16xi32>], vector<16xf32>,
    %max3A_88 = arith.maximumf %scan3A_77#0, %gather3A_86 : vector<16xf32>
    %min3A_89 = arith.minimumf %scan3A_77#0, %gather3A_86 : vector<16xf32>
    %max3A_90 = arith.maximumf %scan3A_77#1, %gather3A_87 : vector<16xf32>
    %max3A_91 = arith.maximumf %min3A_89, %max3A_90 : vector<16xf32>
    %xor3A_92 = arith.constant 4 : i32
    %xor3A_93 = vector.broadcast %xor3A_92 : i32 to vector<16xi32>
    %xor3A_94 = arith.xori %iota3A, %xor3A_93 : vector<16xi32>
    %swap3A_95 = arith.constant 0 : index
    %swap3A_96 = tpu.vector_load %arg6[%swap3A_95] {strides = array<i32>} : memref<16xf32, #tpu.memory_space<vmem>>, vector<16xf32>,
    tpu.vector_store %arg6[%swap3A_95], %max3A_88 {strides = array<i32>} : memref<16xf32, #tpu.memory_space<vmem>>, vector<16xf32>,
    %swap3A_97 = arith.constant 0 : index
    %swap3A_98 = tpu.vector_load %arg7[%swap3A_97] {strides = array<i32>} : memref<16xf32, #tpu.memory_space<vmem>>, vector<16xf32>,
    tpu.vector_store %arg7[%swap3A_97], %max3A_91 {strides = array<i32>} : memref<16xf32, #tpu.memory_space<vmem>>, vector<16xf32>,
    %gather3A_99 = tpu.vector_load_idx %arg6[%xor3A_94] : memref<16xf32, #tpu.memory_space<vmem>>[vector<16xi32>], vector<16xf32>,
    %gather3A_100 = tpu.vector_load_idx %arg7[%xor3A_94] : memref<16xf32, #tpu.memory_space<vmem>>[vector<16xi32>], vector<16xf32>,
    %max3A_101 = arith.maximumf %max3A_88, %gather3A_99 : vector<16xf32>
    %min3A_102 = arith.minimumf %max3A_88, %gather3A_99 : vector<16xf32>
    %max3A_103 = arith.maximumf %max3A_91, %gather3A_100 : vector<16xf32>
    %max3A_104 = arith.maximumf %min3A_102, %max3A_103 : vector<16xf32>
    %xor3A_105 = arith.constant 2 : i32
    %xor3A_106 = vector.broadcast %xor3A_105 : i32 to vector<16xi32>
    %xor3A_107 = arith.xori %iota3A, %xor3A_106 : vector<16xi32>
    %swap3A_108 = arith.constant 0 : index
    %swap3A_109 = tpu.vector_load %arg6[%swap3A_108] {strides = array<i32>} : memref<16xf32, #tpu.memory_space<vmem>>, vector<16xf32>,
    tpu.vector_store %arg6[%swap3A_108], %max3A_101 {strides = array<i32>} : memref<16xf32, #tpu.memory_space<vmem>>, vector<16xf32>,
    %swap3A_110 = arith.constant 0 : index
    %swap3A_111 = tpu.vector_load %arg7[%swap3A_110] {strides = array<i32>} : memref<16xf32, #tpu.memory_space<vmem>>, vector<16xf32>,
    tpu.vector_store %arg7[%swap3A_110], %max3A_104 {strides = array<i32>} : memref<16xf32, #tpu.memory_space<vmem>>, vector<16xf32>,
    %gather3A_112 = tpu.vector_load_idx %arg6[%xor3A_107] : memref<16xf32, #tpu.memory_space<vmem>>[vector<16xi32>], vector<16xf32>,
    %gather3A_113 = tpu.vector_load_idx %arg7[%xor3A_107] : memref<16xf32, #tpu.memory_space<vmem>>[vector<16xi32>], vector<16xf32>,
    %max3A_114 = arith.maximumf %max3A_101, %gather3A_112 : vector<16xf32>
    %min3A_115 = arith.minimumf %max3A_101, %gather3A_112 : vector<16xf32>
    %max3A_116 = arith.maximumf %max3A_104, %gather3A_113 : vector<16xf32>
    %max3A_117 = arith.maximumf %min3A_115, %max3A_116 : vector<16xf32>
    %xor3A_118 = arith.constant 1 : i32
    %xor3A_119 = vector.broadcast %xor3A_118 : i32 to vector<16xi32>
    %xor3A_120 = arith.xori %iota3A, %xor3A_119 : vector<16xi32>
    %swap3A_121 = arith.constant 0 : index
    %swap3A_122 = tpu.vector_load %arg6[%swap3A_121] {strides = array<i32>} : memref<16xf32, #tpu.memory_space<vmem>>, vector<16xf32>,
    tpu.vector_store %arg6[%swap3A_121], %max3A_114 {strides = array<i32>} : memref<16xf32, #tpu.memory_space<vmem>>, vector<16xf32>,
    %swap3A_123 = arith.constant 0 : index
    %swap3A_124 = tpu.vector_load %arg7[%swap3A_123] {strides = array<i32>} : memref<16xf32, #tpu.memory_space<vmem>>, vector<16xf32>,
    tpu.vector_store %arg7[%swap3A_123], %max3A_117 {strides = array<i32>} : memref<16xf32, #tpu.memory_space<vmem>>, vector<16xf32>,
    %gather3A_125 = tpu.vector_load_idx %arg6[%xor3A_120] : memref<16xf32, #tpu.memory_space<vmem>>[vector<16xi32>], vector<16xf32>,
    %gather3A_126 = tpu.vector_load_idx %arg7[%xor3A_120] : memref<16xf32, #tpu.memory_space<vmem>>[vector<16xi32>], vector<16xf32>,
    %max3A_127 = arith.maximumf %max3A_114, %gather3A_125 : vector<16xf32>
    %min3A_128 = arith.minimumf %max3A_114, %gather3A_125 : vector<16xf32>
    %max3A_129 = arith.maximumf %max3A_117, %gather3A_126 : vector<16xf32>
    %max3A_130 = arith.maximumf %min3A_128, %max3A_129 : vector<16xf32>
    %eq3A_131 = arith.constant 0 : i32
    %eq3A_132 = vector.broadcast %eq3A_131 : i32 to vector<16xi32>
    %eq3A_133 = arith.cmpi eq, %iota3A, %eq3A_132 : vector<16xi32>
    %eq3A_134 = arith.constant 1 : i32
    %eq3A_135 = vector.broadcast %eq3A_134 : i32 to vector<16xi32>
    %eq3A_136 = arith.cmpi eq, %iota3A, %eq3A_135 : vector<16xi32>
    %jit3A_137 = arith.constant 0.000000e+00 : f32
    %broadcast_in_dim3A_138 = vector.broadcast %jit3A_137 : f32 to vector<16xf32>
    %select_n3A_139 = arith.select %eq3A_136, %max3A_130, %broadcast_in_dim3A_138 : vector<16xi1>, vector<16xf32>
    %select_n3A_140 = arith.select %eq3A_133, %max3A_127, %select_n3A_139 : vector<16xi1>, vector<16xf32>
    %swap3A_141 = arith.constant 0 : index
    %swap3A_142 = tpu.vector_load %arg5[%swap3A_141] {strides = array<i32>} : memref<16xf32, #tpu.memory_space<vmem>>, vector<16xf32>,
    tpu.vector_store %arg5[%swap3A_141], %select_n3A_140 {strides = array<i32>} : memref<16xf32, #tpu.memory_space<vmem>>, vector<16xf32>,
    "tpu.region"() ({
      %run_scoped3A = tpu.sem_alloc : memref<!tpu.dma_semaphore, #tpu.memory_space<semaphore_mem>>
      %dma_start3A = arith.constant 0 : i32
      %dma_start3A_143 = tpu.memref_slice %arg3[%add3A_70, %dma_start3A] : memref<64x16xf32, #tpu.memory_space<hbm>> -> memref<1x16xf32, #tpu.memory_space<hbm>>
      %dma_start3A_144 = tpu.memref_squeeze %dma_start3A_143 : memref<1x16xf32, #tpu.memory_space<hbm>> -> memref<16xf32, #tpu.memory_space<hbm>>
      %dma_start3A_145 = arith.constant 0 : i32
      %dma_start3A_146 = tpu.memref_slice %arg3[%add3A_70, %dma_start3A_145] : memref<64x16xf32, #tpu.memory_space<hbm>> -> memref<1x16xf32, #tpu.memory_space<hbm>>
      %dma_start3A_147 = tpu.memref_squeeze %dma_start3A_146 : memref<1x16xf32, #tpu.memory_space<hbm>> -> memref<16xf32, #tpu.memory_space<hbm>>
      tpu.enqueue_dma source(%arg5 : memref<16xf32, #tpu.memory_space<vmem>>) target(%dma_start3A_147 : memref<16xf32, #tpu.memory_space<hbm>>) target_semaphore(%run_scoped3A : memref<!tpu.dma_semaphore, #tpu.memory_space<semaphore_mem>>)
      %dma_wait3A = arith.constant 0 : i32
      %dma_wait3A_148 = tpu.memref_slice %arg3[%add3A_70, %dma_wait3A] : memref<64x16xf32, #tpu.memory_space<hbm>> -> memref<1x16xf32, #tpu.memory_space<hbm>>
      %dma_wait3A_149 = tpu.memref_squeeze %dma_wait3A_148 : memref<1x16xf32, #tpu.memory_space<hbm>> -> memref<16xf32, #tpu.memory_space<hbm>>
      %dma_wait3A_150 = arith.constant 0 : i32
      %dma_wait3A_151 = tpu.memref_slice %arg3[%add3A_70, %dma_wait3A_150] : memref<64x16xf32, #tpu.memory_space<hbm>> -> memref<1x16xf32, #tpu.memory_space<hbm>>
      %dma_wait3A_152 = tpu.memref_squeeze %dma_wait3A_151 : memref<1x16xf32, #tpu.memory_space<hbm>> -> memref<16xf32, #tpu.memory_space<hbm>>
      tpu.wait_dma2 semaphore(%run_scoped3A : memref<!tpu.dma_semaphore, #tpu.memory_space<semaphore_mem>>) src(%arg5 : memref<16xf32, #tpu.memory_space<vmem>>) dst(%dma_wait3A_152 : memref<16xf32, #tpu.memory_space<hbm>>)
      tpu.yield
    }) : () -> ()
    return
  }
}

</mosaic_0001>

<sc_bundles>
// kernel: _top2_padded.3.cloned.1.call-start
scs
__scs_entry_jumppad:
0x0: {  	(pc) =	sbr.rel $0x88, $3  }
0x1: {  	(tag) =	ssettag $0x0;
	lr =	simm.s32 $0x1  }
0x2: {  	[smem:$0x3FA0] =	sst lr;
	_ =	strace $0xD0000000  }
0x3: {  	_ = 	snop  }
0x4: {  	_ = 	snop  }
0x5: {  	_ = 	snop  }
0x6: {  	_ = 	snop  }
0x7: {  	_ = 	snop  }
__scs_overlays_trampoline_lowered:
0x8: {  	[smem:$0x3FAF] =	sst s0  }
0x9: {  	[smem:$0x3FB0] =	sst s1  }
0xa: {  	[smem:$0x3FB1] =	sst s2  }
0xb: {  	[smem:$0x3FB2] =	sst s3  }
0xc: {  	[smem:$0x3FB3] =	sst s4  }
0xd: {  	[smem:$0x3FB4] =	sst s5  }
0xe: {  	[smem:$0x3FB5] =	sst s6  }
0xf: {  	[smem:$0x3FB6] =	sst s7  }
0x10: {  	[smem:$0x3FB7] =	sst s8  }
0x11: {  	[smem:$0x3FB8] =	sst s9;
	s0 =	simm.s32 @!p0 $0x0  }
0x12: {  	s1 =	sld [smem:$0x3F9E];
	s0 =	simm.s32 @p0 $0x1  }
0x13: {  	[smem:$0x3FB9] =	sst s0;
	s0 =	simm.s32 @!p1 $0x0  }
0x14: {  	s2 =	sld [smem:$0x3F9D];
	s0 =	simm.s32 @p1 $0x1  }
0x15: {  	[smem:$0x3FBA] =	sst s0;
	s0 =	simm.s32 @!p2 $0x0  }
0x16: {  	s3 =	sld [smem:$0x3FDB];
	s0 =	simm.s32 @p2 $0x1  }
0x17: {  	s4 =	simm.s32 $0x1BF5;
	[smem:$0x3FBC] =	sst s0  }
0x18: {  	s0 =	sld [smem:$0x3F9F];
	_ =	swait.ge [sflag:s4], $0x0  }
0x19: {  	s7 =	sld [smem:$0x3FA0]  }
0x1a: {  	s8 =	sadd.s32 $0xFFFFE003, lr  }
0x1b: {  	s9 =	sadd.s32 $0xFFFFFEF7, lr;
	s5 =	simm.s32 $0xFFFFFFFF;
	p2 =	slt.u32 s8, $0xFFFFF086  }
0x1c: {  	p1 =	slt.u32 s9, $0xF7A;
	s5 =	simm.s32 @!p2 $0x0  }
0x1d: {  	s5 =	simm.s32 @p1 $0x1;
	p0 =	seq.s32 s7, s2  }
0x1e: {  	s7 =	smul.u32 @!p0 $0xF7A, s2;
	p2 =	seq.s32 @!p0 s5, $0x0  }
0x1f: {  	s9 =	smul.u32 $0xF7A, s1;
	s8 =	simm.s32 @!p0 $0x1BF5;
	p2 =	por !p2, p0  }
0x20: {  	[sflag:s8] =	ssyncset.s32 @!p0 $0xFFFFF086;
	s6 =	sadd.s32 @!p0 s3, s7;
	s7 =	simm.s32 @!p0 $0x108  }
0x21: {  	s3 =	sadd.s32 s3, s9;
	s6 =	sadd.s32 @!p0 $0x88, s6;
	s7 =	simm.s32 @p2 $0x1082  }
0x22: {  	[simem:s7], [sflag:s8] =	dma.local @!p0 [hbm:s6], $0xF7A  }
0x23: {  	s9 =	sor.u32 $0xD0000000, s2;
	s6 =	simm.s32 $0x108;
	_ =	swait.ge @!p0 [sflag:s8], $0x0  }
0x24: {  	s3 =	sadd.s32 $0x88, s3;
	s6 =	simm.s32 @!p1 $0x1082;
	[sflag:s4] =	ssyncset.s32 $0xFFFFF086  }
0x25: {  	[simem:s6], [sflag:s4] =	dma.local [hbm:s3], $0xF7A  }
0x26: {  	[smem:$0x3FA0] =	sst s1;
	(tag) =	ssettag s2;
	_ =	strace s9  }
0x27: {  	s1 =	sld [smem:$0x3FB0]  }
0x28: {  	s2 =	sld [smem:$0x3FB1]  }
0x29: {  	s4 =	sld [smem:$0x3FB3]  }
0x2a: {  	p0 =	seq.s32 s5, $0x0;
	s5 =	sld [smem:$0x3FB4]  }
0x2b: {  	s6 =	sld [smem:$0x3FB5]  }
0x2c: {  	s7 =	sld [smem:$0x3FB6]  }
0x2d: {  	s3 =	simm.s32 $0x108;
	s8 =	sld [smem:$0x3FB7]  }
0x2e: {  	s3 =	simm.s32 @!p0 $0x1082;
	s9 =	sld [smem:$0x3FB8]  }
0x2f: {  	lr =	sadd.s32 s0, s3;
	s0 =	sld [smem:$0x3FAF]  }
0x30: {  	s3 =	sld [smem:$0x3FB2]  }
0x31: {  	[smem:$0x3FBB] =	sst s10  }
0x32: {  	s10 =	sld [smem:$0x3FB9];
	_ =	sdelay $0x3  }
0x33: {  	p0 =	seq.s32 s10, $0x1;
	s10 =	sld [smem:$0x3FBB];
	_ =	sdelay $0x3  }
0x34: {  	[smem:$0x3FBB] =	sst s10  }
0x35: {  	s10 =	sld [smem:$0x3FBA];
	_ =	sdelay $0x3  }
0x36: {  	p1 =	seq.s32 s10, $0x1;
	s10 =	sld [smem:$0x3FBB];
	_ =	sdelay $0x3  }
0x37: {  	[smem:$0x3FBB] =	sst s10  }
0x38: {  	s10 =	sld [smem:$0x3FBC]  }
0x39: {  	_ = 	snop;
	(pc) =	sbr.ind lr, $3  }
0x3a: {  	_ = 	snop  }
0x3b: {  	_ = 	snop  }
0x3c: {  	p2 =	seq.s32 s10, $0x1;
	s10 =	sld [smem:$0x3FBB]  }
0x3d: {  	_ =	shalt  }
0x3e: {  	_ =	shalt  }
0x3f: {  	_ =	shalt  }
0x40: {  	_ =	shalt  }
0x41: {  	_ =	shalt  }
0x42: {  	_ =	shalt  }
0x43: {  	_ =	shalt  }
0x44: {  	_ =	shalt  }
0x45: {  	_ =	shalt  }
0x46: {  	_ =	shalt  }
0x47: {  	_ =	shalt  }
0x48: {  	_ =	shalt  }
0x49: {  	_ =	shalt  }
0x4a: {  	_ =	shalt  }
0x4b: {  	_ =	shalt  }
0x4c: {  	_ =	shalt  }
0x4d: {  	_ =	shalt  }
0x4e: {  	_ =	shalt  }
0x4f: {  	_ =	shalt  }
0x50: {  	_ =	shalt  }
0x51: {  	_ =	shalt  }
0x52: {  	_ =	shalt  }
0x53: {  	_ =	shalt  }
0x54: {  	_ =	shalt  }
0x55: {  	_ =	shalt  }
0x56: {  	_ =	shalt  }
0x57: {  	_ =	shalt  }
0x58: {  	_ =	shalt  }
0x59: {  	_ =	shalt  }
0x5a: {  	_ =	shalt  }
0x5b: {  	_ =	shalt  }
0x5c: {  	_ =	shalt  }
0x5d: {  	_ =	shalt  }
0x5e: {  	_ =	shalt  }
0x5f: {  	_ =	shalt  }
0x60: {  	_ =	shalt  }
0x61: {  	_ =	shalt  }
0x62: {  	_ =	shalt  }
0x63: {  	_ =	shalt  }
0x64: {  	_ =	shalt  }
0x65: {  	_ =	shalt  }
0x66: {  	_ =	shalt  }
0x67: {  	_ =	shalt  }
0x68: {  	_ =	shalt  }
0x69: {  	_ =	shalt  }
0x6a: {  	_ =	shalt  }
0x6b: {  	_ =	shalt  }
0x6c: {  	_ =	shalt  }
0x6d: {  	_ =	shalt  }
0x6e: {  	_ =	shalt  }
0x6f: {  	_ =	shalt  }
0x70: {  	_ =	shalt  }
0x71: {  	_ =	shalt  }
0x72: {  	_ =	shalt  }
0x73: {  	_ =	shalt  }
0x74: {  	_ =	shalt  }
0x75: {  	_ =	shalt  }
0x76: {  	_ =	shalt  }
0x77: {  	_ =	shalt  }
0x78: {  	_ =	shalt  }
0x79: {  	_ =	shalt  }
0x7a: {  	_ =	shalt  }
0x7b: {  	_ =	shalt  }
0x7c: {  	_ =	shalt  }
0x7d: {  	_ =	shalt  }
0x7e: {  	_ =	shalt  }
0x7f: {  	_ =	shalt  }
0x80: {  	_ =	shalt  }
0x81: {  	_ =	shalt  }
0x82: {  	_ =	shalt  }
0x83: {  	_ =	shalt  }
0x84: {  	_ =	shalt  }
0x85: {  	_ =	shalt  }
0x86: {  	_ =	shalt  }
0x87: {  	_ =	shalt  }
.Lfunc_end0:
.L_simem_size_0:
called_computation_lowered:
.L_overlay_start_0:
0x88: {  	s2 =	sld [smem:$0x3FD9]  }
0x89: {  	s3 =	sld [smem:$0x3FFE];
	_ =	sdelay $0x1  }
0x8a: {  	s1 =	srdreg.scid  }
0x8b: {  	s0 =	sand.u32 $0x1, s1  }
0x8c: {  	s17 =	sshll.u32 s0, $0xA;
	s2 =	sadd.s32 s3, s2  }
0x8d: {  	s2 =	sadd.s32 s2, s17  }
0x8e: {  	[smem:$0x3FC7] =	sst s2  }
0x8f: {  	_ = 	snop  }
0x90: {  	s2 =	sld [smem:$0x3FC9];
	(tm) =	ssettm $0x1  }
0x91: {  	s18 =	sld [smem:$0x3FFB];
	_ =	sdelay $0x3  }
0x92: {  	_ =	strace s18  }
0x93: {  	s3 =	sld [smem:$0x3FFC];
	_ =	sdelay $0x3  }
0x94: {  	_ =	strace s3  }
0x95: {  	s3 =	sld [smem:$0x3FFD];
	_ =	sdelay $0x3  }
0x96: {  	_ =	strace s3  }
0x97: {  	_ =	strace $0x8FFFFFFF  }
0x98: {  	s19 =	sld [smem:$0x3FDB];
	_ =	sdelay $0x1  }
0x99: {  	s4 =	simm.s32 $_scs_section_size  }
0x9a: {  	s5 =	simm.s32 $_size__tile_overlayer_lowered;
	s6 =	simm.s32 $_tile_overlayer_lowered  }
0x9b: {  	s22 =	simm.s32 $0x1BFF;
	s21 =	sshll.u32 s6, $0x1;
	s3 =	sadd.s32 s4, s19  }
0x9c: {  	s7 =	simm.s32 $0x0;
	s20 =	sshll.u32 s5, $0x1;
	s5 =	sadd.s32 s21, s3  }
0x9d: {  	[timem:s7], [sflag:s22] =	dma.local [hbm:s5], s20  }
0x9e: {  	_ =	swait.ge [sflag:s22], s20  }
0x9f: {  	s4 =	ssub.s32 $0x0, s20;
	[sflag:s22] =	ssyncset.done $0x0  }
0xa0: {  	[sflag:s22] =	ssyncadd.s32 s4;
	_ =	sdelay $0x1  }
0xa1: {  	s23 =	simm.s32 $0x1B8B  }
0xa2: {  	_ =	swait.ge [sflag:s23], $0x1  }
0xa3: {  	[sflag:s23] =	ssyncset.done $0x0  }
0xa4: {  	s25 =	simm.s32 $0x1B8E;
	s24 =	sld [smem:$0x3FFE];
	[sflag:s23] =	ssyncadd.s32 $0xFFFFFFFF  }
0xa5: {  	s26 =	simm.s32 $execute0_lowered;
	[smem:$0x3FD2] =	sst s25  }
0xa6: {  	s5 =	sshll.u32 s26, $0x1;
	_ =	strace $0x80000046;
	[dreg:$0x1] =	wrdreg $0xFFFFFFFF  }
0xa7: {  	s28 =	simm.s32 $_size_execute0_lowered;
	s3 =	sadd.s32 s3, s5;
	[dreg:$0x0] =	wrdreg $0x0  }
0xa8: {  	s5 =	sshll.u32 s28, $0x1;
	[dreg:$0x2] =	wrdreg s3  }
0xa9: {  	[dreg:$0x3] =	wrdreg s5  }
0xaa: {  	[dreg:$0x4] =	wrdreg $0xC0  }
0xab: {  	_ =	task [dreg:s7], $0x5FFFF  }
0xac: {  	[dreg:$0x1] =	wrdreg $0xFFFFFFFF  }
0xad: {  	[dreg:$0x0] =	wrdreg $0x60  }
0xae: {  	[dreg:$0x2] =	wrdreg s2  }
0xaf: {  	[dreg:$0x3] =	wrdreg s24  }
0xb0: {  	[dreg:$0x4] =	wrdreg $0x9  }
0xb1: {  	_ =	task.clear_ibuf [dreg:s7], $0x5FFFF;
	_ =	strace $0x90000046  }
0xb2: {  	s29 =	simm.s32 $0x9;
	_ =	strace $0x80000048  }
0xb3: {  	_ =	swait.ge [sflag:s29], $0x1  }
0xb4: {  	[sflag:s29] =	ssyncadd.s32 $0xFFFFFFFF  }
0xb5: {  	_ =	strace $0x90000048  }
0xb6: {  	_ =	sfence  }
0xb7: {  	s30 =	sld [smem:$0x0];
	_ =	sdelay $0x2  }
0xb8: {  	s31 =	sshll.u32 s1, $0xD;
	s1 =	sshrl.u32 s1, $0x2  }
0xb9: {  	s3 =	sand.u32 $0x4000, s31;
	s1 =	sadd.s32 s1, s30  }
0xba: {  	s0 =	sor.u32 s3, s0;
	s1 =	sshll.u32 s1, $0x11  }
0xbb: {  	s0 =	sor.u32 s1, s0  }
0xbc: {  	s0 =	sadd.s32 $0x8F2B, s0  }
0xbd: {  	[sflag:s0] =	ssyncadd.remote.s32 $0x1  }
0xbe: {  	_ =	sfence.sel $0xFFFF  }
0xbf: {  	[dreg:$0x0] =	wrdreg $0xFFFFFFFF;
	(pc) =	sbr.abs _section_cstart, $3  }
0xc0: {  	[dreg:$0x1] =	wrdreg $0xFFFFFFFF  }
0xc1: {  	_ =	task.clear_ibuf [dreg:s7], $0x2FFFF;
	_ =	strace $0x9FFFFFFF  }
0xc2: {  	(tm) =	ssettm $0x7FFFFFFF  }
0xc3: {  	_ =	shalt  }
tec
execute0_lowered:
.L_overlay_start_1:
0x0: {  	(tag) =	ssettag $0x1  }
0x1: {  	s5 =	rddreg [dreg:$0x0]  }
0x2: {  	s3 =	rddreg [dreg:$0x1]  }
0x3: {  	s0 =	rddreg [dreg:$0x2];
	s2 =	simm.s32 $0x0;
	s4 =	srdreg.scid;
	v0 =	vimm.s32 $0x76543210;
	v1 =	vimm.s32 $0xFEDCBA98  }
0x4: {  	s1 =	stileid.u32;
	v2 =	vimm.s32 $0xBA98FEDC;
	v3 =	vimm.s32 $0x32107654;
	s11 =	simm.s32 $0x8080;
	s12 =	simm.s32 $0x8100  }
0x5: {  	v4 =	vimm.s32 $0xDCFE98BA;
	v5 =	vimm.s32 $0x54761032;
	s13 =	simm.s32 $0x8000;
	s14 =	simm.s32 $0x0;
	[smem:$0x7FF] =	sst s2  }
0x6: {  	v6 =	vimm.s32 $0xEFCDAB89;
	v7 =	vimm.s32 $0x67452301;
	s4 =	sand.u32 $0x1, s4;
	s7 =	sshll.u32 s1, $0x9;
	s8 =	sshrl.u32 s1, $0x1  }
0x7: {  	v0 =	vunpack.c.l.s4.s8 v0;
	v1 =	vunpack.c.l.s4.s8 v1;
	v2 =	vunpack.c.l.s4.s8 v2;
	s10 =	sadd.s32 $0x400, s3;
	_ =	strace $0x80000047;
	s6 =	ssub.s32 $0x2, s4  }
0x8: {  	v3 =	vunpack.c.l.s4.s8 v3;
	v4 =	vunpack.c.l.s4.s8 v4;
	v5 =	vunpack.c.l.s4.s8 v5;
	s4 =	sshll.u32 s4, $0x8;
	s7 =	sand.u32 $0x200, s7;
	s28 =	sshll.u32 s8, $0x12  }
0x9: {  	v6 =	vunpack.c.l.s4.s8 v6;
	v7 =	vunpack.c.l.s4.s8 v7;
	s30 =	sshll.u32 s8, $0xA;
	s9 =	sshrl.u32 s6, $0x1;
	s4 =	sor.u32 s4, s7;
	v2 =	vunpack.c.0.s8.s32 v2  }
0xa: {  	s8 =	simm.s32 $0x80;
	v3 =	vunpack.c.0.s8.s32 v3;
	v4 =	vunpack.c.0.s8.s32 v4;
	v5 =	vunpack.c.0.s8.s32 v5;
	s9 =	ssub.s32 s6, s9;
	s29 =	sor.u32 s28, s4  }
0xb: {  	v1 =	vunpack.c.0.s8.s32 v1;
	v6 =	vunpack.c.0.s8.s32 v6;
	v7 =	vunpack.c.0.s8.s32 v7;
	s31 =	sor.u32 $0x80, s4;
	s4 =	sor.u32 s30, s4;
	s3 =	sshrl.u32 s29, $0x3  }
0xc: {  	v0 =	vunpack.c.0.s8.s32 v0;
	s7 =	sor.u32 s28, s31;
	s4 =	sshrl.u32 s4, $0x3;
	s6 =	sor.u32 s30, s31;
	v2 =	vcombine.low v3, v2  }
0xd: {  	v3 =	vcombine.low v5, v4;
	v4 =	vcombine.low v7, v6;
	v1 =	vand.u32 $0xF, v1;
	s3 =	sadd.s32 s5, s3;
	s7 =	sshrl.u32 s7, $0x3;
	s6 =	sshrl.u32 s6, $0x3  }
0xe: {  	vm0 =	vcmask $0x3F08;
	vm1 =	vmmov $0x1;
	s4 =	sadd.s32 s10, s4;
	v0 =	vcombine.low v1, v0;
	s5 =	sadd.s32 s5, s7;
	s6 =	sadd.s32 s10, s6  }
0xf: {  	s7 =	smax.u32 s9, $0x1;
	s9 =	simm.s32 $0x400;
	s10 =	simm.s32 $0x1;
	v1 =	vand.u32 $0xF, v2;
	v2 =	vand.u32 $0xF, v3;
	v3 =	vand.u32 $0xF, v4  }
.LBB2_1:
0x10: {  	[tilespmem:s2], [sflag:$0x1] =	stream.strided.gather [hbm4b:s3+s8], $0x8000, s9, s8, $0x38;
	[tilespmem:$0x8180] =	vst v63  }
0x11: {  	_ =	swait.ge [sflag:s10], $0x8000  }
0x12: {  	[sflag:s10] =	ssyncset.done $0x0  }
0x13: {  	s16 =	simm.s32 $0x0;
	[sflag:s10] =	ssyncadd.s32 $0xFFFF8000  }
0x14: {  	v6 =	vld [tilespmem:s16+$0x0];
	_ =	sdelay $0x3  }
0x15: {  	v4 =	vimm.f32 $-Inf;
	s15 =	simm.s32 $0x40;
	v5 =	vimm.f32 $-Inf  }
.LBB2_2:
0x16: {  	s16 =	sshra.s32 s15, $0x2;
	p0 =	sne.s32 s15, $0x1FFC0;
	s15 =	sadd.s32 $0x40, s15;
	v7 =	vmin.f32 v4, v6;
	v8 =	vmov v6  }
.Ltmp0:
0x17: {  	v6 =	vld [tilespmem:s16+$0x0];
	v5 =	vmax.f32 v5, v7;
	(pc) =	sbr.rel @p0 .LBB2_2-.Ltmp0, $2  }
0x18: {  	_ =	sdelay $0x2  }
0x19: {  	v4 =	vmax.f32 v4, v8  }
0x1a: {  	_ = 	snop  }
0x1b: {  	v7 =	vmin.f32 v4, v6;
	v4 =	vmax.f32 v4, v6  }
0x1c: {  	v5 =	vmax.f32 v5, v7;
	[tilespmem:$0x8080] =	vst v4  }
0x1d: {  	[tilespmem:$0x8100] =	vst v5  }
0x1e: {  	v6 =	vld.idx.msk [tilespmem:v0+s11+$0x0], $0xffff  }
0x1f: {  	v7 =	vld.idx.msk [tilespmem:v0+s12+$0x0], $0xffff;
	_ =	sdelay $0x4  }
0x20: {  	v8 =	vmax.f32 v4, v6;
	v4 =	vmin.f32 v4, v6;
	v5 =	vmax.f32 v5, v7  }
0x21: {  	v4 =	vmax.f32 v4, v5;
	[tilespmem:$0x8080] =	vst v8  }
0x22: {  	[tilespmem:$0x8100] =	vst v4  }
0x23: {  	v5 =	vld.idx.msk [tilespmem:v1+s11+$0x0], $0xffff  }
0x24: {  	v6 =	vld.idx.msk [tilespmem:v1+s12+$0x0], $0xffff;
	_ =	sdelay $0x4  }
0x25: {  	v7 =	vmax.f32 v8, v5;
	v5 =	vmin.f32 v8, v5;
	v4 =	vmax.f32 v4, v6  }
0x26: {  	v4 =	vmax.f32 v5, v4;
	[tilespmem:$0x8080] =	vst v7  }
0x27: {  	[tilespmem:$0x8100] =	vst v4  }
0x28: {  	v5 =	vld.idx.msk [tilespmem:v2+s11+$0x0], $0xffff  }
0x29: {  	v6 =	vld.idx.msk [tilespmem:v2+s12+$0x0], $0xffff;
	_ =	sdelay $0x4  }
0x2a: {  	v8 =	vmax.f32 v7, v5;
	v5 =	vmin.f32 v7, v5;
	v4 =	vmax.f32 v4, v6  }
0x2b: {  	v4 =	vmax.f32 v5, v4;
	[tilespmem:$0x8080] =	vst v8  }
0x2c: {  	[tilespmem:$0x8100] =	vst v4  }
0x2d: {  	v5 =	vld.idx.msk [tilespmem:v3+s11+$0x0], $0xffff  }
0x2e: {  	v6 =	vld.idx.msk [tilespmem:v3+s12+$0x0], $0xffff;
	_ =	sdelay $0x4  }
0x2f: {  	v7 =	vmin.f32 v8, v5;
	v4 =	vmax.f32 v4, v6  }
0x30: {  	v4 =	vmax.f32 v7, v4  }
0x31: {  	v5 =	vmax.f32 v8, v5;
	v4 =	vsel vm0, $0x0, v4  }
0x32: {  	v4 =	vsel vm1, v5, v4  }
0x33: {  	s15 =	simm.s32 $0x0;
	[tilespmem:$0x8000] =	vst v4  }
0x34: {  	[hbm4b:s4+s15] =	stream.linear.scatter [tilespmem:s13], [sflag:$0x1], $0x80, $0x38;
	[tilespmem:$0x8180] =	vst v63  }
0x35: {  	_ =	swait.ge [sflag:s10], $0x80  }
0x36: {  	[sflag:s10] =	ssyncset.done $0x0  }
0x37: {  	[sflag:s10] =	ssyncadd.s32 $0xFFFFFF80  }
0x38: {  	[tilespmem:s15], [sflag:$0x1] =	stream.strided.gather [hbm4b:s5+s8], $0x8000, s9, s8, $0x38;
	[tilespmem:$0x8180] =	vst v63  }
0x39: {  	_ =	swait.ge [sflag:s10], $0x8000  }
0x3a: {  	[sflag:s10] =	ssyncset.done $0x0  }
0x3b: {  	s16 =	simm.s32 $0x0;
	[sflag:s10] =	ssyncadd.s32 $0xFFFF8000  }
0x3c: {  	v6 =	vld [tilespmem:s16+$0x0];
	_ =	sdelay $0x3  }
0x3d: {  	v5 =	vimm.f32 $-Inf;
	v4 =	vimm.f32 $-Inf;
	s15 =	simm.s32 $0x40  }
.LBB2_4:
0x3e: {  	s16 =	sshra.s32 s15, $0x2;
	p0 =	sne.s32 s15, $0x1FFC0;
	s15 =	sadd.s32 $0x40, s15;
	v7 =	vmin.f32 v4, v6;
	v8 =	vmov v6  }
.Ltmp1:
0x3f: {  	v6 =	vld [tilespmem:s16+$0x0];
	v5 =	vmax.f32 v5, v7;
	(pc) =	sbr.rel @p0 .LBB2_4-.Ltmp1, $2  }
0x40: {  	_ =	sdelay $0x2  }
0x41: {  	v4 =	vmax.f32 v4, v8  }
0x42: {  	_ = 	snop  }
0x43: {  	v7 =	vmin.f32 v4, v6;
	v4 =	vmax.f32 v4, v6  }
0x44: {  	v5 =	vmax.f32 v5, v7;
	[tilespmem:$0x8080] =	vst v4  }
0x45: {  	[tilespmem:$0x8100] =	vst v5  }
0x46: {  	v56 =	vld.idx.msk [tilespmem:v0+s11+$0x0], $0xffff  }
0x47: {  	v57 =	vld.idx.msk [tilespmem:v0+s12+$0x0], $0xffff;
	_ =	sdelay $0x4  }
0x48: {  	v8 =	vmax.f32 v4, v56;
	v4 =	vmin.f32 v4, v56;
	v5 =	vmax.f32 v5, v57  }
0x49: {  	v4 =	vmax.f32 v4, v5;
	[tilespmem:$0x8080] =	vst v8  }
0x4a: {  	[tilespmem:$0x8100] =	vst v4  }
0x4b: {  	v5 =	vld.idx.msk [tilespmem:v1+s11+$0x0], $0xffff  }
0x4c: {  	v58 =	vld.idx.msk [tilespmem:v1+s12+$0x0], $0xffff;
	_ =	sdelay $0x4  }
0x4d: {  	v59 =	vmax.f32 v8, v5;
	v5 =	vmin.f32 v8, v5;
	v4 =	vmax.f32 v4, v58  }
0x4e: {  	v4 =	vmax.f32 v5, v4;
	[tilespmem:$0x8080] =	vst v59  }
0x4f: {  	[tilespmem:$0x8100] =	vst v4  }
0x50: {  	v5 =	vld.idx.msk [tilespmem:v2+s11+$0x0], $0xffff  }
0x51: {  	v60 =	vld.idx.msk [tilespmem:v2+s12+$0x0], $0xffff;
	_ =	sdelay $0x4  }
0x52: {  	v61 =	vmax.f32 v59, v5;
	v5 =	vmin.f32 v59, v5;
	v4 =	vmax.f32 v4, v60  }
0x53: {  	v4 =	vmax.f32 v5, v4;
	[tilespmem:$0x8080] =	vst v61  }
0x54: {  	[tilespmem:$0x8100] =	vst v4  }
0x55: {  	v5 =	vld.idx.msk [tilespmem:v3+s11+$0x0], $0xffff  }
0x56: {  	v62 =	vld.idx.msk [tilespmem:v3+s12+$0x0], $0xffff;
	_ =	sdelay $0x4  }
0x57: {  	v63 =	vmin.f32 v61, v5;
	v4 =	vmax.f32 v4, v62  }
0x58: {  	v4 =	vmax.f32 v63, v4  }
0x59: {  	s14 =	sadd.s32 $0x1, s14;
	v5 =	vmax.f32 v61, v5;
	v4 =	vsel vm0, $0x0, v4  }
0x5a: {  	p0 =	sne.s32 s14, s7;
	v4 =	vsel vm1, v5, v4  }
.Ltmp2:
0x5b: {  	[tilespmem:$0x8000] =	vst v4;
	(pc) =	sbr.rel @p0 .LBB2_1-.Ltmp2, $4  }
0x5c: {  	[hbm4b:s6+s2] =	stream.linear.scatter [tilespmem:s13], [sflag:$0x1], $0x80, $0x38;
	[tilespmem:$0x8180] =	vst v63  }
0x5d: {  	_ =	swait.ge [sflag:s10], $0x80  }
0x5e: {  	[sflag:s10] =	ssyncset.done $0x0  }
0x5f: {  	[sflag:s10] =	ssyncadd.s32 $0xFFFFFF80  }
0x60: {  	_ =	sfence.sel $0x180000  }
0x61: {  	[bflag:$0x0] =	sbarrier.arrive $0xFFFF  }
0x62: {  	p0 =	sne.s32 s1, $0x0;
	_ =	strace $0x90000047  }
0x63: {  	s0 =	sadd.s32 @!p0 $0x100000, s0;
	[bflag:$0x2] =	sbarrier.arrive $0xFFFF  }
0x64: {  	[sflag:s0] =	ssyncadd.tile.s32 @!p0 $0x1;
	_ =	shalt  }
.Lfunc_end2:
_tile_overlayer_lowered:
.L_overlay_start_2:
0x65: {  	(tag) =	ssettag $0x2  }
0x66: {  	s0 =	rddreg [dreg:$0x0];
	s2 =	stileid.u32  }
0x67: {  	s1 =	rddreg [dreg:$0x1];
	p0 =	sne.s32 s2, $0x0  }
0x68: {  	s3 =	rddreg [dreg:$0x2];
	[bflag:$0x3] =	sbarrier.arrive $0xFFFF;
	s2 =	simm.s32 @!p0 $0x1C01  }
0x69: {  	[timem:s3], [sflag:s2] =	dma.local @!p0 [hbm:s0], s1  }
0x6a: {  	s0 =	simm.s32 @!p0 $0x1  }
0x6b: {  	_ =	swait.ge @!p0 [sflag:s0], s1  }
0x6c: {  	s1 =	ssub.s32 @!p0 $0x0, s1;
	[sflag:s0] =	ssyncset.done @!p0 $0x0  }
0x6d: {  	[sflag:s0] =	ssyncadd.s32 @!p0 s1  }
0x6e: {  	[bflag:$0x3] =	sbarrier.arrive $0xFFFF  }
0x6f: {  	_ =	shalt  }

</sc_bundles>
